<compile_context>
chip_gen: v7x
topology: tpu7x:2x2x1
jax: 0.10.2.dev20260603
libtpu: 0.0.44.dev20260713+nightly
codegen_flags: <defaults>
</compile_context>

<pallas_src>
import functools

import jax
import jax.numpy as jnp
from jax import lax
from jax.experimental import pallas as pl
from jax.experimental.pallas import tpu as pltpu
from jax.experimental.pallas import tpu_sc as plsc

V = 512
D = 128
B = 8
T = 256
N = B * T
TOPK = 3
GAMMA = 0.25

SC_NC = 2
SC_NS = 16
SC_NW = SC_NC * SC_NS
GB_PER_W = N // SC_NW


def _fused_body(x_ref, cw_ref, gw_ref, gb_ref, emb_ref,
                probs_ref, vsel_ref, counts_ref, cpx_ref, loss_ref):
    b = pl.program_id(0)
    xb = x_ref[...]
    ze = lax.dot_general(xb, cw_ref[...], (((1,), (1,)), ((), ())),
                         preferred_element_type=jnp.float32)
    mean = jnp.mean(ze)
    var = jnp.mean((ze - mean) ** 2)
    zn = (ze - mean) * lax.rsqrt(var + 1e-5)
    zn = zn * gw_ref[...] + gb_ref[...]

    emb = emb_ref[...]
    g = lax.dot_general(zn, emb, (((1,), (1,)), ((), ())),
                        preferred_element_type=jnp.float32)
    e2 = emb * emb
    esq = lax.dot_general(jnp.ones((1, D), jnp.float32), e2,
                          (((1,), (1,)), ((), ())),
                          preferred_element_type=jnp.float32)
    zsq = jnp.sum(zn * zn, axis=1, keepdims=True)
    d2 = jnp.maximum(zsq - 2.0 * g + esq, 0.0)

    dmm = jnp.sqrt(d2)
    m = jnp.max(-dmm, axis=1, keepdims=True)
    e = jnp.exp(-dmm - m)
    probs_ref[...] = e / jnp.sum(e, axis=1, keepdims=True)

    iota = lax.broadcasted_iota(jnp.int32, (T, V), 1)
    cur = d2
    dists = []
    rows = []
    picks = []
    for _ in range(TOPK):
        mn = jnp.min(cur, axis=1, keepdims=True)
        ik = jnp.min(jnp.where(cur == mn, iota, 1 << 20), axis=1,
                     keepdims=True)
        sel_mask = iota == ik
        cur = jnp.where(sel_mask, 1e30, cur)
        oh = jnp.where(sel_mask, 1.0, 0.0)
        row = lax.dot_general(oh, emb, (((1,), (0,)), ((), ())),
                              precision=lax.Precision.HIGHEST,
                              preferred_element_type=jnp.float32)
        diff = zn - row
        s = jnp.sum(diff * diff, axis=1, keepdims=True)
        picks.append(ik)
        rows.append(row)
        dists.append(jnp.sqrt(s))
    d4 = jnp.concatenate(dists, axis=1)
    v4 = jnp.concatenate(picks, axis=1)
    best = jnp.min(d4, axis=1, keepdims=True)
    vsel = jnp.min(jnp.where(d4 == best, v4, 1 << 20), axis=1,
                   keepdims=True)
    vsel_ref[...] = vsel

    sel = rows[TOPK - 1]
    for k in range(TOPK - 2, -1, -1):
        sel = jnp.where(v4[:, k:k + 1] == vsel, rows[k], sel)
    dq = zn - sel
    part_loss = jnp.sum(dq * dq) * (GAMMA / (N * D))

    ohv = jnp.where(vsel == iota, 1.0, 0.0)
    part_counts = jnp.sum(ohv, axis=0, keepdims=True)

    @pl.when(b == 0)
    def _init():
        counts_ref[...] = part_counts
        loss_ref[0, 0] = part_loss

    @pl.when(b > 0)
    def _acc():
        counts_ref[...] += part_counts
        loss_ref[0, 0] += part_loss

    @pl.when(b == B - 1)
    def _fin():
        p = counts_ref[...] * (1.0 / N)
        ent = jnp.sum(p * jnp.log(p + 1e-7))
        cpx_ref[0, 0] = jnp.exp(-ent)


def _sc_gather_body(table_hbm, idx_hbm, out_hbm, idx_v, rows_v, sem):
    wid = lax.axis_index("s") * SC_NC + lax.axis_index("c")
    base = wid * GB_PER_W
    pltpu.sync_copy(idx_hbm.at[pl.ds(base, GB_PER_W)], idx_v)
    pltpu.async_copy(table_hbm.at[idx_v], rows_v, sem).wait()
    pltpu.sync_copy(rows_v, out_hbm.at[pl.ds(base, GB_PER_W)])


@functools.lru_cache(maxsize=1)
def _sc_gather():
    return pl.kernel(
        _sc_gather_body,
        mesh=plsc.VectorSubcoreMesh(core_axis_name="c", subcore_axis_name="s"),
        out_type=jax.ShapeDtypeStruct((N, D), jnp.float32),
        scratch_types=[
            pltpu.VMEM((GB_PER_W,), jnp.int32),
            pltpu.VMEM((GB_PER_W, D), jnp.float32),
            pltpu.SemaphoreType.DMA,
        ],
    )


def kernel(x, embedding, conv_w, gn_w, gn_b):
    emb = embedding.reshape(V, D)
    gw = gn_w.reshape(1, D)
    gb = gn_b.reshape(1, D)

    probs, vsel, _counts, cpx, loss = pl.pallas_call(
        _fused_body,
        grid=(B,),
        in_specs=[
            pl.BlockSpec((None, T, D), lambda b: (b, 0, 0)),
            pl.BlockSpec((D, D), lambda b: (0, 0)),
            pl.BlockSpec((1, D), lambda b: (0, 0)),
            pl.BlockSpec((1, D), lambda b: (0, 0)),
            pl.BlockSpec((V, D), lambda b: (0, 0)),
        ],
        out_specs=[
            pl.BlockSpec((None, T, V), lambda b: (b, 0, 0)),
            pl.BlockSpec((None, T, 1), lambda b: (b, 0, 0)),
            pl.BlockSpec((1, V), lambda b: (0, 0)),
            pl.BlockSpec(memory_space=pltpu.SMEM),
            pl.BlockSpec(memory_space=pltpu.SMEM),
        ],
        out_shape=[
            jax.ShapeDtypeStruct((B, T, V), jnp.float32),
            jax.ShapeDtypeStruct((B, T, 1), jnp.int32),
            jax.ShapeDtypeStruct((1, V), jnp.float32),
            jax.ShapeDtypeStruct((1, 1), jnp.float32),
            jax.ShapeDtypeStruct((1, 1), jnp.float32),
        ],
    )(x, conv_w, gw, gb, emb)

    out2 = _sc_gather()(emb, vsel.reshape(N))
    out = out2.reshape(B, T, D)
    return out, probs, cpx[0, 0], loss[0, 0]

# --- scband reference (transcript-rebuilt; emitter-appended) ---
"""Pipeline reference for scband-kmeans-vector-quantizer-35218731828027 (READ-ONLY COPY).

The authoritative reference and input builder live on the scoring server;
editing this copy changes nothing except your own understanding.
"""

import jax, jax.numpy as jnp
import numpy as np

NUM_VARS = 512
GROUPS = 1
VAR_DIM = 128
GAMMA = 0.25

def _group_norm(x, w, b, groups=1, eps=1e-5):
    B, C, T = x.shape
    xg = x.reshape(B, groups, -1).astype(jnp.float32)
    mean = jnp.mean(xg, axis=-1, keepdims=True)
    var = jnp.var(xg, axis=-1, keepdims=True)
    xg = (xg - mean) * jax.lax.rsqrt(var + eps)
    xn = xg.reshape(B, C, T)
    return xn * w[None, :, None] + b[None, :, None]

def setup_inputs(seed: int = 0):
    key = jax.random.key(seed)
    k1, k2, k3 = jax.random.split(key, 3)
    x = jax.random.normal(k1, (8, 256, 128), dtype=jnp.float32)
    embedding = 0.01 * jax.random.normal(k2, (NUM_VARS, 1, VAR_DIM), dtype=jnp.float32)
    conv_w = jax.random.normal(k3, (128, 128), dtype=jnp.float32) * (1.0 / np.sqrt(128))
    gn_w = jnp.ones((128,), jnp.float32)
    gn_b = jnp.zeros((128,), jnp.float32)
    return {"x": x, "embedding": embedding, "conv_w": conv_w, "gn_w": gn_w, "gn_b": gn_b}

def reference(x, embedding, conv_w, gn_w, gn_b):
    # x: (B, T, C) since time_first=True
    xt = jnp.transpose(x, (0, 2, 1))  # (B, C, T)
    ze = jnp.einsum('oc,bct->bot', conv_w, xt)  # Conv1d k=1, groups=1, no bias
    ze = _group_norm(ze, gn_w, gn_b, GROUPS)
    B, C, T = ze.shape
    ze_ = jnp.transpose(ze.reshape(B, GROUPS, VAR_DIM, T), (0, 3, 1, 2))  # (B, T, G, vd)
    emb = embedding.reshape(NUM_VARS, GROUPS, VAR_DIM)
    diff = ze_[None, ...] - emb[:, None, None, :, :]  # (V, B, T, G, vd)
    d = jnp.sqrt(jnp.sum(diff * diff, axis=-1))  # (V, B, T, G)
    subword_prob = jax.nn.softmax(-jnp.transpose(jnp.squeeze(d, axis=-1), (1, 2, 0)), axis=-1)  # (B, T, V)
    idx = jnp.argmin(d, axis=0)  # (B, T, G)
    zq = jnp.stack([emb[idx[..., g], g] for g in range(GROUPS)], axis=-2).reshape(B, T, GROUPS * VAR_DIM)
    zq = jnp.transpose(zq, (0, 2, 1))  # (B, C, T)
    x_st = jax.lax.stop_gradient(zq) + (ze - jax.lax.stop_gradient(ze))
    hard_x = jax.nn.one_hot(idx.reshape(-1), NUM_VARS, dtype=jnp.float32).reshape(B * T, GROUPS, NUM_VARS)
    hard_probs = jnp.mean(hard_x, axis=0)
    code_cpx = jnp.sum(jnp.exp(-jnp.sum(hard_probs * jnp.log(hard_probs + 1e-7), axis=-1)))
    out = jnp.transpose(x_st, (0, 2, 1))  # back to (B, T, C) since time_first
    loss = GAMMA * jnp.mean((ze - jax.lax.stop_gradient(zq)) ** 2)
    return out, subword_prob, code_cpx, loss

if __name__ == "__main__":
    import jax
    _d = setup_inputs()
    print(jax.jit(kernel)(*tuple(_d.values())))

</pallas_src>

<mosaic_0001>
#map = affine_map<(d0, d1) -> (0, 0)>
#map1 = affine_map<(d0, d1) -> (0)>
module attributes {stable_mosaic.version = 14 : i64} {
  func.func @_sc_gather_body(%arg0: i32, %arg1: i32, %arg2: memref<512x128xf32, #tpu.memory_space<hbm>>, %arg3: memref<2048xi32, #tpu.memory_space<hbm>>, %arg4: memref<2048x128xf32, #tpu.memory_space<hbm>>, %arg5: memref<64xi32, #tpu.memory_space<vmem>>, %arg6: memref<64x128xf32, #tpu.memory_space<vmem>>, %arg7: memref<!tpu.dma_semaphore, #tpu.memory_space<semaphore_mem>>) attributes {dimension_semantics = [#tpu.dimension_semantics<core_parallel>, #tpu.dimension_semantics<subcore_parallel>], iteration_bounds = array<i64: 2, 16>, scalar_prefetch = 0 : i64, scratch_operands = 3 : i64, tpu.core_type = #tpu.core_type<sc_vector_subcore>, window_params = [{transform_indices = #map}, {transform_indices = #map1}, {transform_indices = #map}]} {
    %mul3A = arith.constant 2 : i32
    %mul3A_0 = arith.muli %arg1, %mul3A : i32
    %add3A = arith.addi %mul3A_0, %arg0 : i32
    %mul3A_1 = arith.constant 64 : i32
    %mul3A_2 = arith.muli %add3A, %mul3A_1 : i32
    "tpu.region"() ({
      %run_scoped3A = tpu.sem_alloc : memref<!tpu.dma_semaphore, #tpu.memory_space<semaphore_mem>>
      %dma_start3A_7 = tpu.memref_slice %arg3[%mul3A_2] : memref<2048xi32, #tpu.memory_space<hbm>> -> memref<64xi32, #tpu.memory_space<hbm>>
      %dma_start3A_8 = tpu.memref_slice %arg3[%mul3A_2] : memref<2048xi32, #tpu.memory_space<hbm>> -> memref<64xi32, #tpu.memory_space<hbm>>
      tpu.enqueue_dma source(%dma_start3A_8 : memref<64xi32, #tpu.memory_space<hbm>>) target(%arg5 : memref<64xi32, #tpu.memory_space<vmem>>) target_semaphore(%run_scoped3A : memref<!tpu.dma_semaphore, #tpu.memory_space<semaphore_mem>>)
      %dma_wait3A_9 = tpu.memref_slice %arg3[%mul3A_2] : memref<2048xi32, #tpu.memory_space<hbm>> -> memref<64xi32, #tpu.memory_space<hbm>>
      %dma_wait3A_10 = tpu.memref_slice %arg3[%mul3A_2] : memref<2048xi32, #tpu.memory_space<hbm>> -> memref<64xi32, #tpu.memory_space<hbm>>
      tpu.wait_dma2 semaphore(%run_scoped3A : memref<!tpu.dma_semaphore, #tpu.memory_space<semaphore_mem>>) src(%dma_wait3A_10 : memref<64xi32, #tpu.memory_space<hbm>>) dst(%arg5 : memref<64xi32, #tpu.memory_space<vmem>>)
      tpu.yield
    }) : () -> ()
    %dma_start3A = arith.constant 0 : i32
    %dma_start3A_3 = arith.constant 0 : i32
    %dma_start3A_4 = tpu.memref_slice %arg2[%dma_start3A, %dma_start3A_3] : memref<512x128xf32, #tpu.memory_space<hbm>> -> memref<512x128xf32, #tpu.memory_space<hbm>>
    tpu.enqueue_indirect_dma source(%dma_start3A_4 : memref<512x128xf32, #tpu.memory_space<hbm>>) target(%arg6 : memref<64x128xf32, #tpu.memory_space<vmem>>) offsets(%arg5 : memref<64xi32, #tpu.memory_space<vmem>>) semaphore(%arg7 : memref<!tpu.dma_semaphore, #tpu.memory_space<semaphore_mem>>)
    %dma_wait3A = arith.constant 0 : i32
    %dma_wait3A_5 = arith.constant 0 : i32
    %dma_wait3A_6 = tpu.memref_slice %arg2[%dma_wait3A, %dma_wait3A_5] : memref<512x128xf32, #tpu.memory_space<hbm>> -> memref<512x128xf32, #tpu.memory_space<hbm>>
    tpu.wait_indirect_dma semaphore(%arg7 : memref<!tpu.dma_semaphore, #tpu.memory_space<semaphore_mem>>) src(%dma_wait3A_6 : memref<512x128xf32, #tpu.memory_space<hbm>>) dst(%arg6 : memref<64x128xf32, #tpu.memory_space<vmem>>)
    "tpu.region"() ({
      %run_scoped3A = tpu.sem_alloc : memref<!tpu.dma_semaphore, #tpu.memory_space<semaphore_mem>>
      %dma_start3A_7 = arith.constant 0 : i32
      %dma_start3A_8 = tpu.memref_slice %arg4[%mul3A_2, %dma_start3A_7] : memref<2048x128xf32, #tpu.memory_space<hbm>> -> memref<64x128xf32, #tpu.memory_space<hbm>>
      %dma_start3A_9 = arith.constant 0 : i32
      %dma_start3A_10 = tpu.memref_slice %arg4[%mul3A_2, %dma_start3A_9] : memref<2048x128xf32, #tpu.memory_space<hbm>> -> memref<64x128xf32, #tpu.memory_space<hbm>>
      tpu.enqueue_dma source(%arg6 : memref<64x128xf32, #tpu.memory_space<vmem>>) target(%dma_start3A_10 : memref<64x128xf32, #tpu.memory_space<hbm>>) target_semaphore(%run_scoped3A : memref<!tpu.dma_semaphore, #tpu.memory_space<semaphore_mem>>)
      %dma_wait3A_11 = arith.constant 0 : i32
      %dma_wait3A_12 = tpu.memref_slice %arg4[%mul3A_2, %dma_wait3A_11] : memref<2048x128xf32, #tpu.memory_space<hbm>> -> memref<64x128xf32, #tpu.memory_space<hbm>>
      %dma_wait3A_13 = arith.constant 0 : i32
      %dma_wait3A_14 = tpu.memref_slice %arg4[%mul3A_2, %dma_wait3A_13] : memref<2048x128xf32, #tpu.memory_space<hbm>> -> memref<64x128xf32, #tpu.memory_space<hbm>>
      tpu.wait_dma2 semaphore(%run_scoped3A : memref<!tpu.dma_semaphore, #tpu.memory_space<semaphore_mem>>) src(%arg6 : memref<64x128xf32, #tpu.memory_space<vmem>>) dst(%dma_wait3A_14 : memref<64x128xf32, #tpu.memory_space<hbm>>)
      tpu.yield
    }) : () -> ()
    return
  }
}

module attributes {stable_mosaic.version = 14 : i64} {
  func.func @_fused_body(%arg0: i32, %arg1: memref<1x256x128xf32, #tpu.memory_space<vmem>>, %arg2: memref<128x128xf32, #tpu.memory_space<vmem>>, %arg3: memref<1x128xf32, #tpu.memory_space<vmem>>, %arg4: memref<1x128xf32, #tpu.memory_space<vmem>>, %arg5: memref<512x128xf32, #tpu.memory_space<vmem>>, %arg6: memref<1x256x512xf32, #tpu.memory_space<vmem>>, %arg7: memref<1x256x1xi32, #tpu.memory_space<vmem>>, %arg8: memref<1x512xf32, #tpu.memory_space<vmem>>, %arg9: memref<1x1xf32, #tpu.memory_space<smem>>, %arg10: memref<1x1xf32, #tpu.memory_space<smem>>) attributes {dimension_semantics = [#tpu.dimension_semantics<arbitrary>], iteration_bounds = array<i64: 8>, scalar_prefetch = 0 : i64, scratch_operands = 0 : i64, tpu.core_type = #tpu.core_type<tc>, window_params = [{transform_indices = @transform_0, window_bounds = array<i64: 1, 256, 128>}, {pipeline_mode = #tpu.pipeline_mode<synchronous>, transform_indices = @transform_1, window_bounds = array<i64: 128, 128>}, {pipeline_mode = #tpu.pipeline_mode<synchronous>, transform_indices = @transform_2, window_bounds = array<i64: 1, 128>}, {pipeline_mode = #tpu.pipeline_mode<synchronous>, transform_indices = @transform_3, window_bounds = array<i64: 1, 128>}, {pipeline_mode = #tpu.pipeline_mode<synchronous>, transform_indices = @transform_4, window_bounds = array<i64: 512, 128>}, {transform_indices = @transform_5, window_bounds = array<i64: 1, 256, 512>}, {transform_indices = @transform_6, window_bounds = array<i64: 1, 256, 1>}, {pipeline_mode = #tpu.pipeline_mode<synchronous>, transform_indices = @transform_7, window_bounds = array<i64: 1, 512>}, {transform_indices = @transform_8, window_bounds = array<i64: 1, 1>}, {transform_indices = @transform_9, window_bounds = array<i64: 1, 1>}]} {
    %get3A = arith.constant 0 : index
    %get3A_0 = arith.constant 0 : index
    %get3A_1 = arith.constant 0 : index
    %get3A_2 = vector.load %arg1[%get3A, %get3A_0, %get3A_1] : memref<1x256x128xf32, #tpu.memory_space<vmem>>, vector<1x256x128xf32>
    %get3A_3 = vector.shape_cast %get3A_2 : vector<1x256x128xf32> to vector<256x128xf32>
    %get3A_4 = arith.constant 0 : index
    %get3A_5 = arith.constant 0 : index
    %get3A_6 = vector.load %arg2[%get3A_4, %get3A_5] : memref<128x128xf32, #tpu.memory_space<vmem>>, vector<128x128xf32>
    %dot_general3A = arith.constant dense<0.000000e+00> : vector<256x128xf32>
    %dot_general3A_7 = tpu.matmul %get3A_3, %get3A_6, %dot_general3A {dimension_numbers = #tpu.dot_dimension_numbers<[1], [1], [0], [0], [0, 0, 1, 0], [], []>, transpose_lhs_hint = false} : vector<256x128xf32>, vector<128x128xf32>, vector<256x128xf32> -> vector<256x128xf32>
    %reduce_sum3A = vector.shape_cast %dot_general3A_7 : vector<256x128xf32> to vector<1x256x128xf32>
    %reduce_sum3A_8 = arith.constant dense<0.000000e+00> : vector<1xf32>
    %reduce_sum3A_9 = vector.multi_reduction <add>, %reduce_sum3A, %reduce_sum3A_8 [1, 2] : vector<1x256x128xf32> to vector<1xf32>
    %reduce_sum3A_10 = vector.shape_cast %reduce_sum3A_9 : vector<1xf32> to vector<1x1x1xf32>
    %reduce_sum3A_11 = vector.extract %reduce_sum3A_10[0, 0, 0] : f32 from vector<1x1x1xf32>
    %div3A = arith.constant 3.276800e+04 : f32
    %div3A_12 = arith.divf %reduce_sum3A_11, %div3A : f32
    %sub3A = vector.broadcast %div3A_12 : f32 to vector<256x128xf32>
    %sub3A_13 = arith.subf %dot_general3A_7, %sub3A : vector<256x128xf32>
    %integer_pow3A = arith.mulf %sub3A_13, %sub3A_13 : vector<256x128xf32>
    %reduce_sum3A_14 = vector.shape_cast %integer_pow3A : vector<256x128xf32> to vector<1x256x128xf32>
    %reduce_sum3A_15 = arith.constant dense<0.000000e+00> : vector<1xf32>
    %reduce_sum3A_16 = vector.multi_reduction <add>, %reduce_sum3A_14, %reduce_sum3A_15 [1, 2] : vector<1x256x128xf32> to vector<1xf32>
    %reduce_sum3A_17 = vector.shape_cast %reduce_sum3A_16 : vector<1xf32> to vector<1x1x1xf32>
    %reduce_sum3A_18 = vector.extract %reduce_sum3A_17[0, 0, 0] : f32 from vector<1x1x1xf32>
    %div3A_19 = arith.constant 3.276800e+04 : f32
    %div3A_20 = arith.divf %reduce_sum3A_18, %div3A_19 : f32
    %sub3A_21 = vector.broadcast %div3A_12 : f32 to vector<256x128xf32>
    %sub3A_22 = arith.subf %dot_general3A_7, %sub3A_21 : vector<256x128xf32>
    %add3A = arith.constant 9.99999974E-6 : f32
    %add3A_23 = arith.addf %div3A_20, %add3A : f32
    %rsqrt3A = math.rsqrt %add3A_23 : f32
    %mul3A = vector.broadcast %rsqrt3A : f32 to vector<256x128xf32>
    %mul3A_24 = arith.mulf %sub3A_22, %mul3A : vector<256x128xf32>
    %get3A_25 = arith.constant 0 : index
    %get3A_26 = arith.constant 0 : index
    %get3A_27 = vector.load %arg3[%get3A_25, %get3A_26] : memref<1x128xf32, #tpu.memory_space<vmem>>, vector<1x128xf32>
    %mul3A_28 = vector.broadcast %get3A_27 : vector<1x128xf32> to vector<256x128xf32>
    %mul3A_29 = arith.mulf %mul3A_24, %mul3A_28 : vector<256x128xf32>
    %get3A_30 = arith.constant 0 : index
    %get3A_31 = arith.constant 0 : index
    %get3A_32 = vector.load %arg4[%get3A_30, %get3A_31] : memref<1x128xf32, #tpu.memory_space<vmem>>, vector<1x128xf32>
    %add3A_33 = vector.broadcast %get3A_32 : vector<1x128xf32> to vector<256x128xf32>
    %add3A_34 = arith.addf %mul3A_29, %add3A_33 : vector<256x128xf32>
    %get3A_35 = arith.constant 0 : index
    %get3A_36 = arith.constant 0 : index
    %get3A_37 = vector.load %arg5[%get3A_35, %get3A_36] : memref<512x128xf32, #tpu.memory_space<vmem>>, vector<512x128xf32>
    %dot_general3A_38 = arith.constant dense<0.000000e+00> : vector<256x512xf32>
    %dot_general3A_39 = tpu.matmul %add3A_34, %get3A_37, %dot_general3A_38 {dimension_numbers = #tpu.dot_dimension_numbers<[1], [1], [0], [0], [0, 0, 1, 0], [], []>, transpose_lhs_hint = false} : vector<256x128xf32>, vector<512x128xf32>, vector<256x512xf32> -> vector<256x512xf32>
    %mul3A_40 = arith.mulf %get3A_37, %get3A_37 : vector<512x128xf32>
    %broadcast_in_dim3A = arith.constant 1.000000e+00 : f32
    %broadcast_in_dim3A_41 = vector.broadcast %broadcast_in_dim3A : f32 to vector<1x128xf32>
    %dot_general3A_42 = arith.constant dense<0.000000e+00> : vector<1x512xf32>
    %dot_general3A_43 = tpu.matmul %broadcast_in_dim3A_41, %mul3A_40, %dot_general3A_42 {dimension_numbers = #tpu.dot_dimension_numbers<[1], [1], [0], [0], [0, 0, 1, 0], [], []>, transpose_lhs_hint = false} : vector<1x128xf32>, vector<512x128xf32>, vector<1x512xf32> -> vector<1x512xf32>
    %mul3A_44 = arith.mulf %add3A_34, %add3A_34 : vector<256x128xf32>
    %reduce_sum3A_45 = arith.constant dense<0.000000e+00> : vector<256xf32>
    %reduce_sum3A_46 = vector.multi_reduction <add>, %mul3A_44, %reduce_sum3A_45 [1] : vector<256x128xf32> to vector<256xf32>
    %broadcast_in_dim3A_47 = vector.shape_cast %reduce_sum3A_46 : vector<256xf32> to vector<256x1xf32>
    %mul3A_48 = arith.constant 2.000000e+00 : f32
    %mul3A_49 = vector.broadcast %mul3A_48 : f32 to vector<256x512xf32>
    %mul3A_50 = arith.mulf %mul3A_49, %dot_general3A_39 : vector<256x512xf32>
    %sub3A_51 = vector.broadcast %broadcast_in_dim3A_47 : vector<256x1xf32> to vector<256x512xf32>
    %sub3A_52 = arith.subf %sub3A_51, %mul3A_50 : vector<256x512xf32>
    %add3A_53 = vector.broadcast %dot_general3A_43 : vector<1x512xf32> to vector<256x512xf32>
    %add3A_54 = arith.addf %sub3A_52, %add3A_53 : vector<256x512xf32>
    %max3A = arith.constant 0.000000e+00 : f32
    %max3A_55 = vector.broadcast %max3A : f32 to vector<256x512xf32>
    %max3A_56 = arith.maximumf %add3A_54, %max3A_55 : vector<256x512xf32>
    %sqrt3A = math.sqrt %max3A_56 : vector<256x512xf32>
    %neg3A = arith.constant 0.000000e+00 : f32
    %neg3A_57 = vector.broadcast %neg3A : f32 to vector<256x512xf32>
    %neg3A_58 = arith.subf %neg3A_57, %sqrt3A : vector<256x512xf32>
    %reduce_max3A = arith.constant dense<0xFF800000> : vector<256xf32>
    %reduce_max3A_59 = vector.multi_reduction <maximumf>, %neg3A_58, %reduce_max3A [1] : vector<256x512xf32> to vector<256xf32>
    %broadcast_in_dim3A_60 = vector.shape_cast %reduce_max3A_59 : vector<256xf32> to vector<256x1xf32>
    %neg3A_61 = arith.constant 0.000000e+00 : f32
    %neg3A_62 = vector.broadcast %neg3A_61 : f32 to vector<256x512xf32>
    %neg3A_63 = arith.subf %neg3A_62, %sqrt3A : vector<256x512xf32>
    %sub3A_64 = vector.broadcast %broadcast_in_dim3A_60 : vector<256x1xf32> to vector<256x512xf32>
    %sub3A_65 = arith.subf %neg3A_63, %sub3A_64 : vector<256x512xf32>
    %exp3A = math.exp %sub3A_65 : vector<256x512xf32>
    %reduce_sum3A_66 = arith.constant dense<0.000000e+00> : vector<256xf32>
    %reduce_sum3A_67 = vector.multi_reduction <add>, %exp3A, %reduce_sum3A_66 [1] : vector<256x512xf32> to vector<256xf32>
    %broadcast_in_dim3A_68 = vector.shape_cast %reduce_sum3A_67 : vector<256xf32> to vector<256x1xf32>
    %div3A_69 = vector.broadcast %broadcast_in_dim3A_68 : vector<256x1xf32> to vector<256x512xf32>
    %div3A_70 = arith.divf %exp3A, %div3A_69 : vector<256x512xf32>
    %swap3A = arith.constant 0 : index
    %swap3A_71 = arith.constant 0 : index
    %swap3A_72 = arith.constant 0 : index
    %swap3A_73 = vector.load %arg6[%swap3A, %swap3A_71, %swap3A_72] : memref<1x256x512xf32, #tpu.memory_space<vmem>>, vector<1x256x512xf32>
    %swap3A_74 = vector.shape_cast %swap3A_73 : vector<1x256x512xf32> to vector<256x512xf32>
    %swap3A_75 = vector.shape_cast %div3A_70 : vector<256x512xf32> to vector<1x256x512xf32>
    tpu.vector_store %arg6[%swap3A, %swap3A_71, %swap3A_72], %swap3A_75 {strides = array<i32>} : memref<1x256x512xf32, #tpu.memory_space<vmem>>, vector<1x256x512xf32>,
    %iota3A = tpu.iota {dimensions = array<i32: 1>} : vector<256x512xi32>
    %reduce_min3A = arith.constant dense<0x7F800000> : vector<256xf32>
    %reduce_min3A_76 = vector.multi_reduction <minimumf>, %max3A_56, %reduce_min3A [1] : vector<256x512xf32> to vector<256xf32>
    %broadcast_in_dim3A_77 = vector.shape_cast %reduce_min3A_76 : vector<256xf32> to vector<256x1xf32>
    %eq3A = vector.broadcast %broadcast_in_dim3A_77 : vector<256x1xf32> to vector<256x512xf32>
    %eq3A_78 = arith.cmpf oeq, %max3A_56, %eq3A : vector<256x512xf32>
    %jit3A = arith.constant 1048576 : i32
    %broadcast_in_dim3A_79 = vector.broadcast %jit3A : i32 to vector<256x512xi32>
    %select_n3A = arith.select %eq3A_78, %iota3A, %broadcast_in_dim3A_79 : vector<256x512xi1>, vector<256x512xi32>
    %reduce_min3A_80 = arith.constant dense<2147483647> : vector<256xi32>
    %reduce_min3A_81 = vector.multi_reduction <minsi>, %select_n3A, %reduce_min3A_80 [1] : vector<256x512xi32> to vector<256xi32>
    %broadcast_in_dim3A_82 = vector.shape_cast %reduce_min3A_81 : vector<256xi32> to vector<256x1xi32>
    %eq3A_83 = vector.broadcast %broadcast_in_dim3A_82 : vector<256x1xi32> to vector<256x512xi32>
    %eq3A_84 = arith.cmpi eq, %iota3A, %eq3A_83 : vector<256x512xi32>
    %jit3A_85 = arith.constant 1.000000e+30 : f32
    %broadcast_in_dim3A_86 = vector.broadcast %jit3A_85 : f32 to vector<256x512xf32>
    %select_n3A_87 = arith.select %eq3A_84, %broadcast_in_dim3A_86, %max3A_56 : vector<256x512xi1>, vector<256x512xf32>
    %jit3A_88 = arith.constant 1.000000e+00 : f32
    %jit3A_89 = arith.constant 0.000000e+00 : f32
    %broadcast_in_dim3A_90 = vector.broadcast %jit3A_88 : f32 to vector<256x512xf32>
    %broadcast_in_dim3A_91 = vector.broadcast %jit3A_89 : f32 to vector<256x512xf32>
    %select_n3A_92 = arith.select %eq3A_84, %broadcast_in_dim3A_90, %broadcast_in_dim3A_91 : vector<256x512xi1>, vector<256x512xf32>
    %dot_general3A_93 = arith.constant dense<0.000000e+00> : vector<256x128xf32>
    %dot_general3A_94 = tpu.matmul %select_n3A_92, %get3A_37, %dot_general3A_93 {dimension_numbers = #tpu.dot_dimension_numbers<[1], [0], [0], [1], [0, 0, 1, 1], [], []>, precision = #tpu.contract_precision<fp32>, transpose_lhs_hint = false} : vector<256x512xf32>, vector<512x128xf32>, vector<256x128xf32> -> vector<256x128xf32>
    %sub3A_95 = arith.subf %add3A_34, %dot_general3A_94 : vector<256x128xf32>
    %mul3A_96 = arith.mulf %sub3A_95, %sub3A_95 : vector<256x128xf32>
    %reduce_sum3A_97 = arith.constant dense<0.000000e+00> : vector<256xf32>
    %reduce_sum3A_98 = vector.multi_reduction <add>, %mul3A_96, %reduce_sum3A_97 [1] : vector<256x128xf32> to vector<256xf32>
    %broadcast_in_dim3A_99 = vector.shape_cast %reduce_sum3A_98 : vector<256xf32> to vector<256x1xf32>
    %sqrt3A_100 = math.sqrt %broadcast_in_dim3A_99 : vector<256x1xf32>
    %reduce_min3A_101 = arith.constant dense<0x7F800000> : vector<256xf32>
    %reduce_min3A_102 = vector.multi_reduction <minimumf>, %select_n3A_87, %reduce_min3A_101 [1] : vector<256x512xf32> to vector<256xf32>
    %broadcast_in_dim3A_103 = vector.shape_cast %reduce_min3A_102 : vector<256xf32> to vector<256x1xf32>
    %eq3A_104 = vector.broadcast %broadcast_in_dim3A_103 : vector<256x1xf32> to vector<256x512xf32>
    %eq3A_105 = arith.cmpf oeq, %select_n3A_87, %eq3A_104 : vector<256x512xf32>
    %jit3A_106 = arith.constant 1048576 : i32
    %broadcast_in_dim3A_107 = vector.broadcast %jit3A_106 : i32 to vector<256x512xi32>
    %select_n3A_108 = arith.select %eq3A_105, %iota3A, %broadcast_in_dim3A_107 : vector<256x512xi1>, vector<256x512xi32>
    %reduce_min3A_109 = arith.constant dense<2147483647> : vector<256xi32>
    %reduce_min3A_110 = vector.multi_reduction <minsi>, %select_n3A_108, %reduce_min3A_109 [1] : vector<256x512xi32> to vector<256xi32>
    %broadcast_in_dim3A_111 = vector.shape_cast %reduce_min3A_110 : vector<256xi32> to vector<256x1xi32>
    %eq3A_112 = vector.broadcast %broadcast_in_dim3A_111 : vector<256x1xi32> to vector<256x512xi32>
    %eq3A_113 = arith.cmpi eq, %iota3A, %eq3A_112 : vector<256x512xi32>
    %jit3A_114 = arith.constant 1.000000e+30 : f32
    %broadcast_in_dim3A_115 = vector.broadcast %jit3A_114 : f32 to vector<256x512xf32>
    %select_n3A_116 = arith.select %eq3A_113, %broadcast_in_dim3A_115, %select_n3A_87 : vector<256x512xi1>, vector<256x512xf32>
    %jit3A_117 = arith.constant 1.000000e+00 : f32
    %jit3A_118 = arith.constant 0.000000e+00 : f32
    %broadcast_in_dim3A_119 = vector.broadcast %jit3A_117 : f32 to vector<256x512xf32>
    %broadcast_in_dim3A_120 = vector.broadcast %jit3A_118 : f32 to vector<256x512xf32>
    %select_n3A_121 = arith.select %eq3A_113, %broadcast_in_dim3A_119, %broadcast_in_dim3A_120 : vector<256x512xi1>, vector<256x512xf32>
    %dot_general3A_122 = arith.constant dense<0.000000e+00> : vector<256x128xf32>
    %dot_general3A_123 = tpu.matmul %select_n3A_121, %get3A_37, %dot_general3A_122 {dimension_numbers = #tpu.dot_dimension_numbers<[1], [0], [0], [1], [0, 0, 1, 1], [], []>, precision = #tpu.contract_precision<fp32>, transpose_lhs_hint = false} : vector<256x512xf32>, vector<512x128xf32>, vector<256x128xf32> -> vector<256x128xf32>
    %sub3A_124 = arith.subf %add3A_34, %dot_general3A_123 : vector<256x128xf32>
    %mul3A_125 = arith.mulf %sub3A_124, %sub3A_124 : vector<256x128xf32>
    %reduce_sum3A_126 = arith.constant dense<0.000000e+00> : vector<256xf32>
    %reduce_sum3A_127 = vector.multi_reduction <add>, %mul3A_125, %reduce_sum3A_126 [1] : vector<256x128xf32> to vector<256xf32>
    %broadcast_in_dim3A_128 = vector.shape_cast %reduce_sum3A_127 : vector<256xf32> to vector<256x1xf32>
    %sqrt3A_129 = math.sqrt %broadcast_in_dim3A_128 : vector<256x1xf32>
    %reduce_min3A_130 = arith.constant dense<0x7F800000> : vector<256xf32>
    %reduce_min3A_131 = vector.multi_reduction <minimumf>, %select_n3A_116, %reduce_min3A_130 [1] : vector<256x512xf32> to vector<256xf32>
    %broadcast_in_dim3A_132 = vector.shape_cast %reduce_min3A_131 : vector<256xf32> to vector<256x1xf32>
    %eq3A_133 = vector.broadcast %broadcast_in_dim3A_132 : vector<256x1xf32> to vector<256x512xf32>
    %eq3A_134 = arith.cmpf oeq, %select_n3A_116, %eq3A_133 : vector<256x512xf32>
    %jit3A_135 = arith.constant 1048576 : i32
    %broadcast_in_dim3A_136 = vector.broadcast %jit3A_135 : i32 to vector<256x512xi32>
    %select_n3A_137 = arith.select %eq3A_134, %iota3A, %broadcast_in_dim3A_136 : vector<256x512xi1>, vector<256x512xi32>
    %reduce_min3A_138 = arith.constant dense<2147483647> : vector<256xi32>
    %reduce_min3A_139 = vector.multi_reduction <minsi>, %select_n3A_137, %reduce_min3A_138 [1] : vector<256x512xi32> to vector<256xi32>
    %broadcast_in_dim3A_140 = vector.shape_cast %reduce_min3A_139 : vector<256xi32> to vector<256x1xi32>
    %eq3A_141 = vector.broadcast %broadcast_in_dim3A_140 : vector<256x1xi32> to vector<256x512xi32>
    %eq3A_142 = arith.cmpi eq, %iota3A, %eq3A_141 : vector<256x512xi32>
    %jit3A_143 = arith.constant 1.000000e+00 : f32
    %jit3A_144 = arith.constant 0.000000e+00 : f32
    %broadcast_in_dim3A_145 = vector.broadcast %jit3A_143 : f32 to vector<256x512xf32>
    %broadcast_in_dim3A_146 = vector.broadcast %jit3A_144 : f32 to vector<256x512xf32>
    %select_n3A_147 = arith.select %eq3A_142, %broadcast_in_dim3A_145, %broadcast_in_dim3A_146 : vector<256x512xi1>, vector<256x512xf32>
    %dot_general3A_148 = arith.constant dense<0.000000e+00> : vector<256x128xf32>
    %dot_general3A_149 = tpu.matmul %select_n3A_147, %get3A_37, %dot_general3A_148 {dimension_numbers = #tpu.dot_dimension_numbers<[1], [0], [0], [1], [0, 0, 1, 1], [], []>, precision = #tpu.contract_precision<fp32>, transpose_lhs_hint = false} : vector<256x512xf32>, vector<512x128xf32>, vector<256x128xf32> -> vector<256x128xf32>
    %sub3A_150 = arith.subf %add3A_34, %dot_general3A_149 : vector<256x128xf32>
    %mul3A_151 = arith.mulf %sub3A_150, %sub3A_150 : vector<256x128xf32>
    %reduce_sum3A_152 = arith.constant dense<0.000000e+00> : vector<256xf32>
    %reduce_sum3A_153 = vector.multi_reduction <add>, %mul3A_151, %reduce_sum3A_152 [1] : vector<256x128xf32> to vector<256xf32>
    %broadcast_in_dim3A_154 = vector.shape_cast %reduce_sum3A_153 : vector<256xf32> to vector<256x1xf32>
    %sqrt3A_155 = math.sqrt %broadcast_in_dim3A_154 : vector<256x1xf32>
    %concatenate3A = tpu.concatenate %sqrt3A_100, %sqrt3A_129, %sqrt3A_155 in 1 : vector<256x1xf32>, vector<256x1xf32>, vector<256x1xf32> -> vector<256x3xf32>
    %concatenate3A_156 = tpu.concatenate %broadcast_in_dim3A_82, %broadcast_in_dim3A_111, %broadcast_in_dim3A_140 in 1 : vector<256x1xi32>, vector<256x1xi32>, vector<256x1xi32> -> vector<256x3xi32>
    %reduce_min3A_157 = arith.constant dense<0x7F800000> : vector<256xf32>
    %reduce_min3A_158 = vector.multi_reduction <minimumf>, %concatenate3A, %reduce_min3A_157 [1] : vector<256x3xf32> to vector<256xf32>
    %broadcast_in_dim3A_159 = vector.shape_cast %reduce_min3A_158 : vector<256xf32> to vector<256x1xf32>
    %eq3A_160 = vector.broadcast %broadcast_in_dim3A_159 : vector<256x1xf32> to vector<256x3xf32>
    %eq3A_161 = arith.cmpf oeq, %concatenate3A, %eq3A_160 : vector<256x3xf32>
    %jit3A_162 = arith.constant 1048576 : i32
    %broadcast_in_dim3A_163 = vector.broadcast %jit3A_162 : i32 to vector<256x3xi32>
    %select_n3A_164 = arith.select %eq3A_161, %concatenate3A_156, %broadcast_in_dim3A_163 : vector<256x3xi1>, vector<256x3xi32>
    %reduce_min3A_165 = arith.constant dense<2147483647> : vector<256xi32>
    %reduce_min3A_166 = vector.multi_reduction <minsi>, %select_n3A_164, %reduce_min3A_165 [1] : vector<256x3xi32> to vector<256xi32>
    %broadcast_in_dim3A_167 = vector.shape_cast %reduce_min3A_166 : vector<256xi32> to vector<256x1xi32>
    %swap3A_168 = arith.constant 0 : index
    %swap3A_169 = arith.constant 0 : index
    %swap3A_170 = arith.constant 0 : index
    %swap3A_171 = vector.load %arg7[%swap3A_168, %swap3A_169, %swap3A_170] : memref<1x256x1xi32, #tpu.memory_space<vmem>>, vector<1x256x1xi32>
    %swap3A_172 = vector.shape_cast %swap3A_171 : vector<1x256x1xi32> to vector<256x1xi32>
    %swap3A_173 = vector.shape_cast %broadcast_in_dim3A_167 : vector<256x1xi32> to vector<1x256x1xi32>
    tpu.vector_store %arg7[%swap3A_168, %swap3A_169, %swap3A_170], %swap3A_173 {strides = array<i32>} : memref<1x256x1xi32, #tpu.memory_space<vmem>>, vector<1x256x1xi32>,
    %slice3A = vector.extract_strided_slice %concatenate3A_156 {offsets = [0, 1], sizes = [256, 1], strides = [1, 1]} : vector<256x3xi32> to vector<256x1xi32>
    %eq3A_174 = arith.cmpi eq, %slice3A, %broadcast_in_dim3A_167 : vector<256x1xi32>
    %broadcast_in_dim3A_175 = vector.shape_cast %eq3A_174 : vector<256x1xi1> to vector<256x1xi1>
    %broadcast_in_dim3A_176 = vector.broadcast %broadcast_in_dim3A_175 : vector<256x1xi1> to vector<256x128xi1>
    %select_n3A_177 = arith.select %broadcast_in_dim3A_176, %dot_general3A_123, %dot_general3A_149 : vector<256x128xi1>, vector<256x128xf32>
    %slice3A_178 = vector.extract_strided_slice %concatenate3A_156 {offsets = [0, 0], sizes = [256, 1], strides = [1, 1]} : vector<256x3xi32> to vector<256x1xi32>
    %eq3A_179 = arith.cmpi eq, %slice3A_178, %broadcast_in_dim3A_167 : vector<256x1xi32>
    %broadcast_in_dim3A_180 = vector.shape_cast %eq3A_179 : vector<256x1xi1> to vector<256x1xi1>
    %broadcast_in_dim3A_181 = vector.broadcast %broadcast_in_dim3A_180 : vector<256x1xi1> to vector<256x128xi1>
    %select_n3A_182 = arith.select %broadcast_in_dim3A_181, %dot_general3A_94, %select_n3A_177 : vector<256x128xi1>, vector<256x128xf32>
    %sub3A_183 = arith.subf %add3A_34, %select_n3A_182 : vector<256x128xf32>
    %mul3A_184 = arith.mulf %sub3A_183, %sub3A_183 : vector<256x128xf32>
    %reduce_sum3A_185 = vector.shape_cast %mul3A_184 : vector<256x128xf32> to vector<1x256x128xf32>
    %reduce_sum3A_186 = arith.constant dense<0.000000e+00> : vector<1xf32>
    %reduce_sum3A_187 = vector.multi_reduction <add>, %reduce_sum3A_185, %reduce_sum3A_186 [1, 2] : vector<1x256x128xf32> to vector<1xf32>
    %reduce_sum3A_188 = vector.shape_cast %reduce_sum3A_187 : vector<1xf32> to vector<1x1x1xf32>
    %reduce_sum3A_189 = vector.extract %reduce_sum3A_188[0, 0, 0] : f32 from vector<1x1x1xf32>
    %mul3A_190 = arith.constant 9.53674316E-7 : f32
    %mul3A_191 = arith.mulf %reduce_sum3A_189, %mul3A_190 : f32
    %eq3A_192 = vector.broadcast %broadcast_in_dim3A_167 : vector<256x1xi32> to vector<256x512xi32>
    %eq3A_193 = arith.cmpi eq, %eq3A_192, %iota3A : vector<256x512xi32>
    %jit3A_194 = arith.constant 1.000000e+00 : f32
    %jit3A_195 = arith.constant 0.000000e+00 : f32
    %broadcast_in_dim3A_196 = vector.broadcast %jit3A_194 : f32 to vector<256x512xf32>
    %broadcast_in_dim3A_197 = vector.broadcast %jit3A_195 : f32 to vector<256x512xf32>
    %select_n3A_198 = arith.select %eq3A_193, %broadcast_in_dim3A_196, %broadcast_in_dim3A_197 : vector<256x512xi1>, vector<256x512xf32>
    %reduce_sum3A_199 = arith.constant dense<0.000000e+00> : vector<512xf32>
    %reduce_sum3A_200 = vector.multi_reduction <add>, %select_n3A_198, %reduce_sum3A_199 [0] : vector<256x512xf32> to vector<512xf32>
    %broadcast_in_dim3A_201 = vector.shape_cast %reduce_sum3A_200 : vector<512xf32> to vector<1x512xf32>
    %eq3A_202 = arith.constant 0 : i32
    %eq3A_203 = arith.cmpi eq, %arg0, %eq3A_202 : i32
    %convert_element_type3A = arith.extui %eq3A_203 : i1 to i32
    %cond3A = arith.constant 0 : i32
    %cond3A_204 = arith.cmpi ne, %convert_element_type3A, %cond3A : i32
    scf.if %cond3A_204 {
      %swap3A_214 = arith.constant 0 : index
      %swap3A_215 = arith.constant 0 : index
      %swap3A_216 = vector.load %arg8[%swap3A_214, %swap3A_215] : memref<1x512xf32, #tpu.memory_space<vmem>>, vector<1x512xf32>
      tpu.vector_store %arg8[%swap3A_214, %swap3A_215], %broadcast_in_dim3A_201 {strides = array<i32>} : memref<1x512xf32, #tpu.memory_space<vmem>>, vector<1x512xf32>,
      %swap3A_217 = arith.constant 0 : index
      %swap3A_218 = arith.constant 0 : index
      %swap3A_219 = memref.load %arg10[%swap3A_217, %swap3A_218] : memref<1x1xf32, #tpu.memory_space<smem>>
      memref.store %mul3A_191, %arg10[%swap3A_217, %swap3A_218] : memref<1x1xf32, #tpu.memory_space<smem>>
    } else {
    }
    %gt3A = arith.constant 0 : i32
    %gt3A_205 = arith.cmpi sgt, %arg0, %gt3A : i32
    %convert_element_type3A_206 = arith.extui %gt3A_205 : i1 to i32
    %cond3A_207 = arith.constant 0 : i32
    %cond3A_208 = arith.cmpi ne, %convert_element_type3A_206, %cond3A_207 : i32
    scf.if %cond3A_208 {
      %get3A_214 = arith.constant 0 : index
      %get3A_215 = arith.constant 0 : index
      %get3A_216 = vector.load %arg8[%get3A_214, %get3A_215] : memref<1x512xf32, #tpu.memory_space<vmem>>, vector<1x512xf32>
      %add3A_217 = arith.addf %get3A_216, %broadcast_in_dim3A_201 : vector<1x512xf32>
      %swap3A_218 = arith.constant 0 : index
      %swap3A_219 = arith.constant 0 : index
      %swap3A_220 = vector.load %arg8[%swap3A_218, %swap3A_219] : memref<1x512xf32, #tpu.memory_space<vmem>>, vector<1x512xf32>
      tpu.vector_store %arg8[%swap3A_218, %swap3A_219], %add3A_217 {strides = array<i32>} : memref<1x512xf32, #tpu.memory_space<vmem>>, vector<1x512xf32>,
      %get3A_221 = arith.constant 0 : index
      %get3A_222 = arith.constant 0 : index
      %get3A_223 = memref.load %arg10[%get3A_221, %get3A_222] : memref<1x1xf32, #tpu.memory_space<smem>>
      %add3A_224 = arith.addf %get3A_223, %mul3A_191 : f32
      %swap3A_225 = arith.constant 0 : index
      %swap3A_226 = arith.constant 0 : index
      %swap3A_227 = memref.load %arg10[%swap3A_225, %swap3A_226] : memref<1x1xf32, #tpu.memory_space<smem>>
      memref.store %add3A_224, %arg10[%swap3A_225, %swap3A_226] : memref<1x1xf32, #tpu.memory_space<smem>>
    } else {
    }
    %eq3A_209 = arith.constant 7 : i32
    %eq3A_210 = arith.cmpi eq, %arg0, %eq3A_209 : i32
    %convert_element_type3A_211 = arith.extui %eq3A_210 : i1 to i32
    %cond3A_212 = arith.constant 0 : i32
    %cond3A_213 = arith.cmpi ne, %convert_element_type3A_211, %cond3A_212 : i32
    scf.if %cond3A_213 {
      %get3A_214 = arith.constant 0 : index
      %get3A_215 = arith.constant 0 : index
      %get3A_216 = vector.load %arg8[%get3A_214, %get3A_215] : memref<1x512xf32, #tpu.memory_space<vmem>>, vector<1x512xf32>
      %mul3A_217 = arith.constant 4.8828125E-4 : f32
      %mul3A_218 = vector.broadcast %mul3A_217 : f32 to vector<1x512xf32>
      %mul3A_219 = arith.mulf %get3A_216, %mul3A_218 : vector<1x512xf32>
      %add3A_220 = arith.constant 1.000000e-07 : f32
      %add3A_221 = vector.broadcast %add3A_220 : f32 to vector<1x512xf32>
      %add3A_222 = arith.addf %mul3A_219, %add3A_221 : vector<1x512xf32>
      %log3A = math.log %add3A_222 : vector<1x512xf32>
      %mul3A_223 = arith.mulf %mul3A_219, %log3A : vector<1x512xf32>
      %reduce_sum3A_224 = vector.shape_cast %mul3A_223 : vector<1x512xf32> to vector<1x1x512xf32>
      %reduce_sum3A_225 = arith.constant dense<0.000000e+00> : vector<1xf32>
      %reduce_sum3A_226 = vector.multi_reduction <add>, %reduce_sum3A_224, %reduce_sum3A_225 [1, 2] : vector<1x1x512xf32> to vector<1xf32>
      %reduce_sum3A_227 = vector.shape_cast %reduce_sum3A_226 : vector<1xf32> to vector<1x1x1xf32>
      %reduce_sum3A_228 = vector.extract %reduce_sum3A_227[0, 0, 0] : f32 from vector<1x1x1xf32>
      %neg3A_229 = arith.constant 0.000000e+00 : f32
      %neg3A_230 = arith.subf %neg3A_229, %reduce_sum3A_228 : f32
      %exp3A_231 = math.exp %neg3A_230 : f32
      %swap3A_232 = arith.constant 0 : index
      %swap3A_233 = arith.constant 0 : index
      %swap3A_234 = memref.load %arg9[%swap3A_232, %swap3A_233] : memref<1x1xf32, #tpu.memory_space<smem>>
      memref.store %exp3A_231, %arg9[%swap3A_232, %swap3A_233] : memref<1x1xf32, #tpu.memory_space<smem>>
    } else {
    }
    return
  }
  func.func @transform_0(%arg0: i32) -> (i32, i32, i32) {
    %c0_i32 = arith.constant 0 : i32
    %c0_i32_0 = arith.constant 0 : i32
    %c0_i32_1 = arith.constant 0 : i32
    return %arg0, %c0_i32, %c0_i32_0 : i32, i32, i32
  }
  func.func @transform_1(%arg0: i32) -> (i32, i32) {
    %c0_i32 = arith.constant 0 : i32
    %c0_i32_0 = arith.constant 0 : i32
    %c0_i32_1 = arith.constant 0 : i32
    return %c0_i32, %c0_i32_0 : i32, i32
  }
  func.func @transform_2(%arg0: i32) -> (i32, i32) {
    %c0_i32 = arith.constant 0 : i32
    %c0_i32_0 = arith.constant 0 : i32
    %c0_i32_1 = arith.constant 0 : i32
    return %c0_i32, %c0_i32_0 : i32, i32
  }
  func.func @transform_3(%arg0: i32) -> (i32, i32) {
    %c0_i32 = arith.constant 0 : i32
    %c0_i32_0 = arith.constant 0 : i32
    %c0_i32_1 = arith.constant 0 : i32
    return %c0_i32, %c0_i32_0 : i32, i32
  }
  func.func @transform_4(%arg0: i32) -> (i32, i32) {
    %c0_i32 = arith.constant 0 : i32
    %c0_i32_0 = arith.constant 0 : i32
    %c0_i32_1 = arith.constant 0 : i32
    return %c0_i32, %c0_i32_0 : i32, i32
  }
  func.func @transform_5(%arg0: i32) -> (i32, i32, i32) {
    %c0_i32 = arith.constant 0 : i32
    %c0_i32_0 = arith.constant 0 : i32
    %c0_i32_1 = arith.constant 0 : i32
    return %arg0, %c0_i32, %c0_i32_0 : i32, i32, i32
  }
  func.func @transform_6(%arg0: i32) -> (i32, i32, i32) {
    %c0_i32 = arith.constant 0 : i32
    %c0_i32_0 = arith.constant 0 : i32
    %c0_i32_1 = arith.constant 0 : i32
    return %arg0, %c0_i32, %c0_i32_0 : i32, i32, i32
  }
  func.func @transform_7(%arg0: i32) -> (i32, i32) {
    %c0_i32 = arith.constant 0 : i32
    %c0_i32_0 = arith.constant 0 : i32
    %c0_i32_1 = arith.constant 0 : i32
    return %c0_i32, %c0_i32_0 : i32, i32
  }
  func.func @transform_8(%arg0: i32) -> (i32, i32) {
    %c0_i32 = arith.constant 0 : i32
    %c0_i32_0 = arith.constant 0 : i32
    %c0_i32_1 = arith.constant 0 : i32
    return %c0_i32, %c0_i32_0 : i32, i32
  }
  func.func @transform_9(%arg0: i32) -> (i32, i32) {
    %c0_i32 = arith.constant 0 : i32
    %c0_i32_0 = arith.constant 0 : i32
    %c0_i32_1 = arith.constant 0 : i32
    return %c0_i32, %c0_i32_0 : i32, i32
  }
}

</mosaic_0001>

<sc_bundles>
// kernel: kernel.4.cloned.1.call-start
scs
__scs_entry_jumppad:
0x0: {  	(pc) =	sbr.rel $0x88, $3  }
0x1: {  	(tag) =	ssettag $0x0;
	lr =	simm.s32 $0x1  }
0x2: {  	[smem:$0x3F9C] =	sst lr;
	_ =	strace $0xD0000000  }
0x3: {  	_ = 	snop  }
0x4: {  	_ = 	snop  }
0x5: {  	_ = 	snop  }
0x6: {  	_ = 	snop  }
0x7: {  	_ = 	snop  }
__scs_overlays_trampoline_lowered:
0x8: {  	[smem:$0x3FAB] =	sst s0  }
0x9: {  	[smem:$0x3FAC] =	sst s1  }
0xa: {  	[smem:$0x3FAD] =	sst s2  }
0xb: {  	[smem:$0x3FAE] =	sst s3  }
0xc: {  	[smem:$0x3FAF] =	sst s4  }
0xd: {  	[smem:$0x3FB0] =	sst s5  }
0xe: {  	[smem:$0x3FB1] =	sst s6  }
0xf: {  	[smem:$0x3FB2] =	sst s7  }
0x10: {  	[smem:$0x3FB3] =	sst s8  }
0x11: {  	[smem:$0x3FB4] =	sst s9;
	s0 =	simm.s32 @!p0 $0x0  }
0x12: {  	s1 =	sld [smem:$0x3F9A];
	s0 =	simm.s32 @p0 $0x1  }
0x13: {  	[smem:$0x3FB5] =	sst s0;
	s0 =	simm.s32 @!p1 $0x0  }
0x14: {  	s2 =	sld [smem:$0x3F99];
	s0 =	simm.s32 @p1 $0x1  }
0x15: {  	[smem:$0x3FB6] =	sst s0;
	s0 =	simm.s32 @!p2 $0x0  }
0x16: {  	s3 =	sld [smem:$0x3FDB];
	s0 =	simm.s32 @p2 $0x1  }
0x17: {  	s4 =	simm.s32 $0x1BF5;
	[smem:$0x3FB8] =	sst s0  }
0x18: {  	s0 =	sld [smem:$0x3F9B];
	_ =	swait.ge [sflag:s4], $0x0  }
0x19: {  	s7 =	sld [smem:$0x3F9C]  }
0x1a: {  	s8 =	sadd.s32 $0xFFFFE003, lr  }
0x1b: {  	s9 =	sadd.s32 $0xFFFFFEF7, lr;
	s5 =	simm.s32 $0xFFFFFFFF;
	p2 =	slt.u32 s8, $0xFFFFF086  }
0x1c: {  	p1 =	slt.u32 s9, $0xF7A;
	s5 =	simm.s32 @!p2 $0x0  }
0x1d: {  	s5 =	simm.s32 @p1 $0x1;
	p0 =	seq.s32 s7, s2  }
0x1e: {  	s7 =	smul.u32 @!p0 $0xF7A, s2;
	p2 =	seq.s32 @!p0 s5, $0x0  }
0x1f: {  	s9 =	smul.u32 $0xF7A, s1;
	s8 =	simm.s32 @!p0 $0x1BF5;
	p2 =	por !p2, p0  }
0x20: {  	[sflag:s8] =	ssyncset.s32 @!p0 $0xFFFFF086;
	s6 =	sadd.s32 @!p0 s3, s7;
	s7 =	simm.s32 @!p0 $0x108  }
0x21: {  	s3 =	sadd.s32 s3, s9;
	s6 =	sadd.s32 @!p0 $0x88, s6;
	s7 =	simm.s32 @p2 $0x1082  }
0x22: {  	[simem:s7], [sflag:s8] =	dma.local @!p0 [hbm:s6], $0xF7A  }
0x23: {  	s9 =	sor.u32 $0xD0000000, s2;
	s6 =	simm.s32 $0x108;
	_ =	swait.ge @!p0 [sflag:s8], $0x0  }
0x24: {  	s3 =	sadd.s32 $0x88, s3;
	s6 =	simm.s32 @!p1 $0x1082;
	[sflag:s4] =	ssyncset.s32 $0xFFFFF086  }
0x25: {  	[simem:s6], [sflag:s4] =	dma.local [hbm:s3], $0xF7A  }
0x26: {  	[smem:$0x3F9C] =	sst s1;
	(tag) =	ssettag s2;
	_ =	strace s9  }
0x27: {  	s1 =	sld [smem:$0x3FAC]  }
0x28: {  	s2 =	sld [smem:$0x3FAD]  }
0x29: {  	s4 =	sld [smem:$0x3FAF]  }
0x2a: {  	p0 =	seq.s32 s5, $0x0;
	s5 =	sld [smem:$0x3FB0]  }
0x2b: {  	s6 =	sld [smem:$0x3FB1]  }
0x2c: {  	s7 =	sld [smem:$0x3FB2]  }
0x2d: {  	s3 =	simm.s32 $0x108;
	s8 =	sld [smem:$0x3FB3]  }
0x2e: {  	s3 =	simm.s32 @!p0 $0x1082;
	s9 =	sld [smem:$0x3FB4]  }
0x2f: {  	lr =	sadd.s32 s0, s3;
	s0 =	sld [smem:$0x3FAB]  }
0x30: {  	s3 =	sld [smem:$0x3FAE]  }
0x31: {  	[smem:$0x3FB7] =	sst s10  }
0x32: {  	s10 =	sld [smem:$0x3FB5];
	_ =	sdelay $0x3  }
0x33: {  	p0 =	seq.s32 s10, $0x1;
	s10 =	sld [smem:$0x3FB7];
	_ =	sdelay $0x3  }
0x34: {  	[smem:$0x3FB7] =	sst s10  }
0x35: {  	s10 =	sld [smem:$0x3FB6];
	_ =	sdelay $0x3  }
0x36: {  	p1 =	seq.s32 s10, $0x1;
	s10 =	sld [smem:$0x3FB7];
	_ =	sdelay $0x3  }
0x37: {  	[smem:$0x3FB7] =	sst s10  }
0x38: {  	s10 =	sld [smem:$0x3FB8]  }
0x39: {  	_ = 	snop;
	(pc) =	sbr.ind lr, $3  }
0x3a: {  	_ = 	snop  }
0x3b: {  	_ = 	snop  }
0x3c: {  	p2 =	seq.s32 s10, $0x1;
	s10 =	sld [smem:$0x3FB7]  }
0x3d: {  	_ =	shalt  }
0x3e: {  	_ =	shalt  }
0x3f: {  	_ =	shalt  }
0x40: {  	_ =	shalt  }
0x41: {  	_ =	shalt  }
0x42: {  	_ =	shalt  }
0x43: {  	_ =	shalt  }
0x44: {  	_ =	shalt  }
0x45: {  	_ =	shalt  }
0x46: {  	_ =	shalt  }
0x47: {  	_ =	shalt  }
0x48: {  	_ =	shalt  }
0x49: {  	_ =	shalt  }
0x4a: {  	_ =	shalt  }
0x4b: {  	_ =	shalt  }
0x4c: {  	_ =	shalt  }
0x4d: {  	_ =	shalt  }
0x4e: {  	_ =	shalt  }
0x4f: {  	_ =	shalt  }
0x50: {  	_ =	shalt  }
0x51: {  	_ =	shalt  }
0x52: {  	_ =	shalt  }
0x53: {  	_ =	shalt  }
0x54: {  	_ =	shalt  }
0x55: {  	_ =	shalt  }
0x56: {  	_ =	shalt  }
0x57: {  	_ =	shalt  }
0x58: {  	_ =	shalt  }
0x59: {  	_ =	shalt  }
0x5a: {  	_ =	shalt  }
0x5b: {  	_ =	shalt  }
0x5c: {  	_ =	shalt  }
0x5d: {  	_ =	shalt  }
0x5e: {  	_ =	shalt  }
0x5f: {  	_ =	shalt  }
0x60: {  	_ =	shalt  }
0x61: {  	_ =	shalt  }
0x62: {  	_ =	shalt  }
0x63: {  	_ =	shalt  }
0x64: {  	_ =	shalt  }
0x65: {  	_ =	shalt  }
0x66: {  	_ =	shalt  }
0x67: {  	_ =	shalt  }
0x68: {  	_ =	shalt  }
0x69: {  	_ =	shalt  }
0x6a: {  	_ =	shalt  }
0x6b: {  	_ =	shalt  }
0x6c: {  	_ =	shalt  }
0x6d: {  	_ =	shalt  }
0x6e: {  	_ =	shalt  }
0x6f: {  	_ =	shalt  }
0x70: {  	_ =	shalt  }
0x71: {  	_ =	shalt  }
0x72: {  	_ =	shalt  }
0x73: {  	_ =	shalt  }
0x74: {  	_ =	shalt  }
0x75: {  	_ =	shalt  }
0x76: {  	_ =	shalt  }
0x77: {  	_ =	shalt  }
0x78: {  	_ =	shalt  }
0x79: {  	_ =	shalt  }
0x7a: {  	_ =	shalt  }
0x7b: {  	_ =	shalt  }
0x7c: {  	_ =	shalt  }
0x7d: {  	_ =	shalt  }
0x7e: {  	_ =	shalt  }
0x7f: {  	_ =	shalt  }
0x80: {  	_ =	shalt  }
0x81: {  	_ =	shalt  }
0x82: {  	_ =	shalt  }
0x83: {  	_ =	shalt  }
0x84: {  	_ =	shalt  }
0x85: {  	_ =	shalt  }
0x86: {  	_ =	shalt  }
0x87: {  	_ =	shalt  }
.Lfunc_end0:
.L_simem_size_0:
called_computation_lowered:
.L_overlay_start_0:
0x88: {  	s2 =	sld [smem:$0x3FD9]  }
0x89: {  	s3 =	sld [smem:$0x3FFE];
	_ =	sdelay $0x1  }
0x8a: {  	s1 =	srdreg.scid  }
0x8b: {  	s0 =	sand.u32 $0x1, s1  }
0x8c: {  	s14 =	sshll.u32 s0, $0xA;
	s2 =	sadd.s32 s3, s2  }
0x8d: {  	s2 =	sadd.s32 s2, s14  }
0x8e: {  	[smem:$0x3FC3] =	sst s2  }
0x8f: {  	_ = 	snop  }
0x90: {  	s2 =	sld [smem:$0x3FD0];
	_ =	sdelay $0x2  }
0x91: {  	s4 =	simm.s32 $0xA;
	s5 =	simm.s32 $0x10;
	s15 =	sld [smem:$0x3FC8]  }
0x92: {  	[smem:s5], [sflag:s4] =	dma.local [hbm:s2], $0x1  }
0x93: {  	_ =	swait.eq [sflag:s4], $0x1  }
0x94: {  	[sflag:s4] =	ssyncset.done $0x0  }
0x95: {  	[sflag:s4] =	ssyncadd.s32 $0xFFFFFFFF  }
0x96: {  	s16 =	sld [smem:$0x10];
	(tm) =	ssettm $0x1  }
0x97: {  	s17 =	sld [smem:$0x3FFB];
	_ =	sdelay $0x3  }
0x98: {  	_ =	strace s17  }
0x99: {  	s4 =	sld [smem:$0x3FFC];
	_ =	sdelay $0x3  }
0x9a: {  	_ =	strace s4  }
0x9b: {  	s4 =	sld [smem:$0x3FFD];
	_ =	sdelay $0x3  }
0x9c: {  	_ =	strace s4  }
0x9d: {  	_ =	strace $0x8FFFFFFF  }
0x9e: {  	s18 =	sld [smem:$0x3FDB];
	_ =	sdelay $0x1  }
0x9f: {  	s19 =	simm.s32 $_scs_section_size  }
0xa0: {  	s6 =	simm.s32 $_size__tile_overlayer_lowered;
	s7 =	simm.s32 $_tile_overlayer_lowered  }
0xa1: {  	s22 =	simm.s32 $0x1BFF;
	s21 =	sshll.u32 s7, $0x1;
	s4 =	sadd.s32 s19, s18  }
0xa2: {  	s8 =	simm.s32 $0x0;
	s20 =	sshll.u32 s6, $0x1;
	s6 =	sadd.s32 s21, s4  }
0xa3: {  	[timem:s8], [sflag:s22] =	dma.local [hbm:s6], s20  }
0xa4: {  	_ =	swait.ge [sflag:s22], s20  }
0xa5: {  	s5 =	ssub.s32 $0x0, s20;
	[sflag:s22] =	ssyncset.done $0x0  }
0xa6: {  	[sflag:s22] =	ssyncadd.s32 s5;
	_ =	sdelay $0x1  }
0xa7: {  	s23 =	simm.s32 $0x1B8B  }
0xa8: {  	_ =	swait.ge [sflag:s23], $0x1  }
0xa9: {  	[sflag:s23] =	ssyncset.done $0x0  }
0xaa: {  	s25 =	simm.s32 $0x1B8E;
	s24 =	sld [smem:$0x3FFE];
	[sflag:s23] =	ssyncadd.s32 $0xFFFFFFFF  }
0xab: {  	s26 =	simm.s32 $execute0_lowered;
	[smem:$0x3FD2] =	sst s25  }
0xac: {  	s6 =	sshll.u32 s26, $0x1;
	_ =	strace $0x80000046;
	[dreg:$0x1] =	wrdreg $0xFFFFFFFF  }
0xad: {  	s28 =	simm.s32 $_size_execute0_lowered;
	s4 =	sadd.s32 s4, s6;
	[dreg:$0x0] =	wrdreg $0x0  }
0xae: {  	s6 =	sshll.u32 s28, $0x1;
	[dreg:$0x2] =	wrdreg s4  }
0xaf: {  	[dreg:$0x3] =	wrdreg s6  }
0xb0: {  	[dreg:$0x4] =	wrdreg $0xC0  }
0xb1: {  	_ =	task [dreg:s8], $0x5FFFF  }
0xb2: {  	[dreg:$0x1] =	wrdreg $0xFFFFFFFF  }
0xb3: {  	[dreg:$0x0] =	wrdreg $0x60  }
0xb4: {  	[dreg:$0x2] =	wrdreg s15  }
0xb5: {  	[dreg:$0x3] =	wrdreg s24  }
0xb6: {  	[dreg:$0x4] =	wrdreg s16  }
0xb7: {  	[dreg:$0x5] =	wrdreg $0x9  }
0xb8: {  	_ =	task.clear_ibuf [dreg:s8], $0x6FFFF;
	_ =	strace $0x90000046  }
0xb9: {  	s29 =	simm.s32 $0x9;
	_ =	strace $0x80000048  }
0xba: {  	_ =	swait.ge [sflag:s29], $0x1  }
0xbb: {  	[sflag:s29] =	ssyncadd.s32 $0xFFFFFFFF  }
0xbc: {  	_ =	strace $0x90000048  }
0xbd: {  	_ =	sfence  }
0xbe: {  	s30 =	sld [smem:$0x0];
	_ =	sdelay $0x2  }
0xbf: {  	s31 =	sshll.u32 s1, $0xD;
	s1 =	sshrl.u32 s1, $0x2  }
0xc0: {  	s3 =	sand.u32 $0x4000, s31;
	s1 =	sadd.s32 s1, s30  }
0xc1: {  	s0 =	sor.u32 s3, s0;
	s1 =	sshll.u32 s1, $0x11  }
0xc2: {  	s0 =	sor.u32 s1, s0  }
0xc3: {  	s0 =	sadd.s32 $0x8F2B, s0  }
0xc4: {  	[sflag:s0] =	ssyncadd.remote.s32 $0x1  }
0xc5: {  	_ =	sfence.sel $0xFFFF  }
0xc6: {  	[dreg:$0x0] =	wrdreg $0xFFFFFFFF;
	(pc) =	sbr.abs _section_cstart, $3  }
0xc7: {  	[dreg:$0x1] =	wrdreg $0xFFFFFFFF  }
0xc8: {  	_ =	task.clear_ibuf [dreg:s8], $0x2FFFF;
	_ =	strace $0x9FFFFFFF  }
0xc9: {  	(tm) =	ssettm $0x7FFFFFFF  }
tec
execute0_lowered:
.L_overlay_start_1:
0x0: {  	(tag) =	ssettag $0x1  }
0x1: {  	s2 =	srdreg.scid  }
0x2: {  	s1 =	rddreg [dreg:$0x0];
	s0 =	stileid.u32;
	s6 =	sand.u32 $0x1, s2  }
0x3: {  	s4 =	rddreg [dreg:$0x1];
	s30 =	sshll.u32 s0, $0x7;
	s3 =	sshll.u32 s6, $0x6  }
0x4: {  	s9 =	rddreg [dreg:$0x2];
	s10 =	sor.u32 s3, s30  }
0x5: {  	s2 =	rddreg [dreg:$0x3];
	s3 =	simm.s32 $0x0;
	s5 =	sshrl.u32 s10, $0x3  }
0x6: {  	s11 =	ssub.s32 $0x2, s6;
	[smem:$0x7FF] =	sst s3;
	s4 =	sadd.s32 s5, s4  }
0x7: {  	_ =	strace $0x80000047;
	s5 =	sadd.s32 $0xC00, s4;
	s4 =	simm.s32 $0x2  }
0x8: {  	[tilespmem:s3], [sflag:$0x2] =	stream.linear.gather [hbm4b:s5+s3], $0x40, $0x38;
	[tilespmem:$0x2080] =	vst v63  }
0x9: {  	s7 =	simm.s32 $0x80;
	s12 =	sshrl.u32 s11, $0x1;
	_ =	swait.ge [sflag:s4], $0x40  }
0xa: {  	s8 =	simm.s32 $0x1;
	s11 =	ssub.s32 s11, s12;
	[sflag:s4] =	ssyncset.done $0x0  }
0xb: {  	s6 =	simm.s32 $0x40;
	s31 =	smax.u32 s11, $0x1;
	[sflag:s4] =	ssyncadd.s32 $0xFFFFFFC0  }
0xc: {  	[tilespmem:s7], [sflag:$0x1] =	stream.indirect.gather [hbm4b:s1+s6], $0x80, s3, s6, $0xb8;
	[tilespmem:$0x2080] =	vst v63  }
0xd: {  	p0 =	sne.s32 s31, $0x1;
	_ =	swait.ge [sflag:s8], $0x2000  }
.Ltmp0:
0xe: {  	s10 =	sshll.u32 s10, $0x4;
	[sflag:s8] =	ssyncset.done $0x0;
	(pc) =	sbr.rel @!p0 .LBB2_2-.Ltmp0, $4  }
0xf: {  	s9 =	sadd.s32 s9, s10;
	[sflag:s8] =	ssyncadd.s32 $0xFFFFE000  }
0x10: {  	[hbm4b:s9+s3] =	stream.linear.scatter [tilespmem:s7], [sflag:$0x2], $0x2000, $0x38;
	[tilespmem:$0x2080] =	vst v63  }
0x11: {  	_ =	swait.ge [sflag:s4], $0x2000  }
0x12: {  	s10 =	sadd.s32 $0xFFFFFFFF, s31;
	[sflag:s4] =	ssyncset.done $0x0  }
.LBB2_1:
0x13: {  	p0 =	sne.s32 s10, $0x1;
	s10 =	sadd.s32 $0xFFFFFFFF, s10;
	[sflag:s4] =	ssyncadd.s32 $0xFFFFE000  }
0x14: {  	[tilespmem:s3], [sflag:$0x2] =	stream.linear.gather [hbm4b:s5+s3], $0x40, $0x38;
	[tilespmem:$0x2080] =	vst v63  }
0x15: {  	_ =	swait.ge [sflag:s4], $0x40  }
0x16: {  	[sflag:s4] =	ssyncset.done $0x0  }
0x17: {  	[sflag:s4] =	ssyncadd.s32 $0xFFFFFFC0  }
0x18: {  	[tilespmem:s7], [sflag:$0x1] =	stream.indirect.gather [hbm4b:s1+s6], $0x80, s3, s6, $0xb8;
	[tilespmem:$0x2080] =	vst v63  }
0x19: {  	_ =	swait.ge [sflag:s8], $0x2000  }
.Ltmp1:
0x1a: {  	[sflag:s8] =	ssyncset.done $0x0;
	(pc) =	sbr.rel @p0 .LBB2_1-.Ltmp1, $4  }
0x1b: {  	[sflag:s8] =	ssyncadd.s32 $0xFFFFE000  }
0x1c: {  	[hbm4b:s9+s3] =	stream.linear.scatter [tilespmem:s7], [sflag:$0x2], $0x2000, $0x38;
	[tilespmem:$0x2080] =	vst v63  }
0x1d: {  	_ =	swait.ge [sflag:s4], $0x2000  }
0x1e: {  	[sflag:s4] =	ssyncset.done $0x0  }
.LBB2_2:
0x1f: {  	[sflag:s4] =	ssyncadd.s32 $0xFFFFE000  }
0x20: {  	_ =	sfence.sel $0x180000  }
0x21: {  	[bflag:$0x0] =	sbarrier.arrive $0xFFFF  }
0x22: {  	p0 =	sne.s32 s0, $0x0;
	_ =	strace $0x90000047  }
0x23: {  	s0 =	sadd.s32 @!p0 $0x100000, s2;
	[bflag:$0x2] =	sbarrier.arrive $0xFFFF  }
0x24: {  	[sflag:s0] =	ssyncadd.tile.s32 @!p0 $0x1;
	_ =	shalt  }
.Lfunc_end2:
_tile_overlayer_lowered:
.L_overlay_start_2:
0x25: {  	(tag) =	ssettag $0x2  }
0x26: {  	s0 =	rddreg [dreg:$0x0];
	s2 =	stileid.u32  }
0x27: {  	s1 =	rddreg [dreg:$0x1];
	p0 =	sne.s32 s2, $0x0  }
0x28: {  	s3 =	rddreg [dreg:$0x2];
	[bflag:$0x3] =	sbarrier.arrive $0xFFFF;
	s2 =	simm.s32 @!p0 $0x1C02  }
0x29: {  	[timem:s3], [sflag:s2] =	dma.local @!p0 [hbm:s0], s1  }
0x2a: {  	s0 =	simm.s32 @!p0 $0x2  }
0x2b: {  	_ =	swait.ge @!p0 [sflag:s0], s1  }
0x2c: {  	s1 =	ssub.s32 @!p0 $0x0, s1;
	[sflag:s0] =	ssyncset.done @!p0 $0x0  }
0x2d: {  	[sflag:s0] =	ssyncadd.s32 @!p0 s1  }
0x2e: {  	[bflag:$0x3] =	sbarrier.arrive $0xFFFF  }
0x2f: {  	_ =	shalt  }

</sc_bundles>
